<compile_context>
chip_gen: v7x
topology: tpu7x:2x2x1
jax: 0.10.2.dev20260603
libtpu: 0.0.44.dev20260713+nightly
codegen_flags: <defaults>
</compile_context>

<pallas_src>
import jax
import jax.numpy as jnp
from jax import lax
from jax.experimental import pallas as pl
from jax.experimental.pallas import tpu as pltpu
from jax.experimental.pallas import tpu_sc as plsc

HIDDEN_DIM = 768
NUM_EXPERTS = 8
TOKENS = 32768
BLOCK_T = 2048

_NUM_WORKERS = 32
_TOK_PER_W = TOKENS // _NUM_WORKERS
_GROUPS = _TOK_PER_W // 16


def _logits_body(x_ref, w_ref, b_ref, p_ref, idx_ref):
    x = x_ref[...]
    w = w_ref[...]
    lt = jax.lax.dot_general(w, x, (((1,), (1,)), ((), ())),
                             preferred_element_type=jnp.float32)
    lt = lt + b_ref[...]

    le = [lt[e:e + 1, :] for e in range(NUM_EXPERTS)]
    v1 = le[0]
    i1 = jnp.zeros(v1.shape, jnp.int32)
    for e in range(1, NUM_EXPERTS):
        gt = le[e] > v1
        v1 = jnp.where(gt, le[e], v1)
        i1 = jnp.where(gt, e, i1)
    nz = i1 != 0
    v2 = jnp.where(nz, le[0], le[1])
    i2 = jnp.where(nz, 0, 1)
    for e in range(1, NUM_EXPERTS):
        gt = (le[e] > v2) & (i1 != e)
        v2 = jnp.where(gt, le[e], v2)
        i2 = jnp.where(gt, e, i2)

    d = jnp.exp(v2 - v1)
    p1 = 1.0 / (1.0 + d)
    p_ref[...] = jnp.concatenate([p1, 1.0 - p1], axis=0)
    idx_ref[...] = jnp.concatenate([i1, i2], axis=0)


def _tc_logits(x, weight, b2):
    t = x.shape[0]
    grid = (t // BLOCK_T,)
    return pl.pallas_call(
        _logits_body,
        grid=grid,
        in_specs=[
            pl.BlockSpec((BLOCK_T, HIDDEN_DIM), lambda i: (i, 0)),
            pl.BlockSpec((NUM_EXPERTS, HIDDEN_DIM), lambda i: (0, 0)),
            pl.BlockSpec((NUM_EXPERTS, 1), lambda i: (0, 0)),
        ],
        out_specs=[
            pl.BlockSpec((2, BLOCK_T), lambda i: (0, i)),
            pl.BlockSpec((2, BLOCK_T), lambda i: (0, i)),
        ],
        out_shape=[
            jax.ShapeDtypeStruct((2, t), jnp.float32),
            jax.ShapeDtypeStruct((2, t), jnp.int32),
        ],
        compiler_params=pltpu.CompilerParams(
            dimension_semantics=("parallel",)),
    )(x, weight, b2)


def _route_body(p_hbm, idx_hbm, scores_hbm, pbuf, ibuf, scores_v, sem):
    wid = lax.axis_index("s") * 2 + lax.axis_index("c")
    base = wid * _TOK_PER_W
    cp = pltpu.async_copy(p_hbm.at[:, pl.ds(base, _TOK_PER_W)], pbuf, sem)
    ci = pltpu.async_copy(idx_hbm.at[:, pl.ds(base, _TOK_PER_W)], ibuf, sem)

    zeros64 = jnp.zeros((16,), jnp.float32)

    def _zero(i, c):
        for e in range(NUM_EXPERTS):
            scores_v[e, pl.ds(i * 16, 16)] = zeros64
        return c

    lax.fori_loop(0, _TOK_PER_W // 16, _zero, 0)
    cp.wait()
    ci.wait()

    lane = lax.iota(jnp.int32, 16)

    def _group(g, c):
        p1 = pbuf[0, pl.ds(g * 16, 16)]
        p2 = pbuf[1, pl.ds(g * 16, 16)]
        i1 = ibuf[0, pl.ds(g * 16, 16)]
        i2 = ibuf[1, pl.ds(g * 16, 16)]
        tok = g * 16 + lane
        plsc.store_scatter(scores_v, [i1, tok], p1)
        plsc.store_scatter(scores_v, [i2, tok], p2)
        return c

    lax.fori_loop(0, _GROUPS, _group, 0)

    pltpu.sync_copy(scores_v, scores_hbm.at[:, pl.ds(base, _TOK_PER_W)])


def _sc_route(p_t, idx_t):
    t = p_t.shape[1]
    mesh = plsc.VectorSubcoreMesh(core_axis_name="c", subcore_axis_name="s")
    run = pl.kernel(
        _route_body,
        out_type=jax.ShapeDtypeStruct((NUM_EXPERTS, t), jnp.float32),
        mesh=mesh,
        scratch_types=[
            pltpu.VMEM((2, _TOK_PER_W), jnp.float32),
            pltpu.VMEM((2, _TOK_PER_W), jnp.int32),
            pltpu.VMEM((NUM_EXPERTS, _TOK_PER_W), jnp.float32),
            pltpu.SemaphoreType.DMA,
        ],
        compiler_params=pltpu.CompilerParams(needs_layout_passes=False),
    )
    return run(p_t, idx_t)


@jax.jit
def kernel(hidden_states, weight, bias):
    x = hidden_states.reshape(-1, HIDDEN_DIM)
    b2 = bias.reshape(NUM_EXPERTS, 1)
    p_t, idx_t = _tc_logits(x, weight, b2)
    s_t = _sc_route(p_t, idx_t)
    return s_t.T, idx_t.T

# --- scband reference (transcript-rebuilt; emitter-appended) ---
"""Pipeline reference for scband-gpt-oss-top-krouter-new-29394756173987 (READ-ONLY COPY).

The authoritative reference and input builder live on the scoring server;
editing this copy changes nothing except your own understanding.
"""

import jax, jax.numpy as jnp
import numpy as np

HIDDEN_DIM = 768
NUM_EXPERTS = 8
TOP_K = 2
TOKENS = 32768


def setup_inputs(seed: int = 0) -> dict:
    key = jax.random.key(seed)
    k1, k2, k3 = jax.random.split(key, 3)
    hidden_states = jax.random.normal(k1, (TOKENS, HIDDEN_DIM), dtype=jnp.float32)
    weight = jax.random.normal(k2, (NUM_EXPERTS, HIDDEN_DIM), dtype=jnp.float32) * 0.02
    bias = jax.random.normal(k3, (NUM_EXPERTS,), dtype=jnp.float32) * 0.02
    return {"hidden_states": hidden_states, "weight": weight, "bias": bias}


def reference(hidden_states, weight, bias):
    # hidden_states.reshape(-1, hidden_dim)
    x = hidden_states.reshape(-1, HIDDEN_DIM)
    # F.linear(x, weight, bias) -> x @ weight.T + bias
    router_logits = x @ weight.T + bias
    # torch.topk(logits, top_k, dim=-1)
    router_top_value, router_indices = jax.lax.top_k(router_logits, TOP_K)
    # softmax over the top-k values (dim=1)
    router_top_value = jax.nn.softmax(router_top_value, axis=1)
    # zeros_like(logits).scatter_(1, indices, values)
    rows = jnp.arange(router_logits.shape[0])[:, None]
    router_scores = jnp.zeros_like(router_logits).at[rows, router_indices].set(router_top_value)
    return (router_scores, router_indices)

if __name__ == "__main__":
    import jax
    _d = setup_inputs()
    print(jax.jit(kernel)(*tuple(_d.values())))

</pallas_src>

<mosaic_0001>
#map = affine_map<(d0, d1) -> (0, 0)>
module attributes {stable_mosaic.version = 14 : i64} {
  func.func @_route_body(%arg0: i32, %arg1: i32, %arg2: memref<2x32768xf32, #tpu.memory_space<hbm>>, %arg3: memref<2x32768xi32, #tpu.memory_space<hbm>>, %arg4: memref<8x32768xf32, #tpu.memory_space<hbm>>, %arg5: memref<2x1024xf32, #tpu.memory_space<vmem>>, %arg6: memref<2x1024xi32, #tpu.memory_space<vmem>>, %arg7: memref<8x1024xf32, #tpu.memory_space<vmem>>, %arg8: memref<!tpu.dma_semaphore, #tpu.memory_space<semaphore_mem>>) attributes {dimension_semantics = [#tpu.dimension_semantics<core_parallel>, #tpu.dimension_semantics<subcore_parallel>], iteration_bounds = array<i64: 2, 16>, scalar_prefetch = 0 : i64, scratch_operands = 4 : i64, tpu.core_type = #tpu.core_type<sc_vector_subcore>, window_params = [{transform_indices = #map}, {transform_indices = #map}, {transform_indices = #map}]} {
    %mul3A = arith.constant 2 : i32
    %mul3A_0 = arith.muli %arg1, %mul3A : i32
    %add3A = arith.addi %mul3A_0, %arg0 : i32
    %mul3A_1 = arith.constant 1024 : i32
    %mul3A_2 = arith.muli %add3A, %mul3A_1 : i32
    %dma_start3A = arith.constant 0 : i32
    %dma_start3A_3 = tpu.memref_slice %arg2[%dma_start3A, %mul3A_2] : memref<2x32768xf32, #tpu.memory_space<hbm>> -> memref<2x1024xf32, #tpu.memory_space<hbm>>
    %dma_start3A_4 = arith.constant 0 : i32
    %dma_start3A_5 = tpu.memref_slice %arg2[%dma_start3A_4, %mul3A_2] : memref<2x32768xf32, #tpu.memory_space<hbm>> -> memref<2x1024xf32, #tpu.memory_space<hbm>>
    tpu.enqueue_dma source(%dma_start3A_5 : memref<2x1024xf32, #tpu.memory_space<hbm>>) target(%arg5 : memref<2x1024xf32, #tpu.memory_space<vmem>>) target_semaphore(%arg8 : memref<!tpu.dma_semaphore, #tpu.memory_space<semaphore_mem>>)
    %dma_start3A_6 = arith.constant 0 : i32
    %dma_start3A_7 = tpu.memref_slice %arg3[%dma_start3A_6, %mul3A_2] : memref<2x32768xi32, #tpu.memory_space<hbm>> -> memref<2x1024xi32, #tpu.memory_space<hbm>>
    %dma_start3A_8 = arith.constant 0 : i32
    %dma_start3A_9 = tpu.memref_slice %arg3[%dma_start3A_8, %mul3A_2] : memref<2x32768xi32, #tpu.memory_space<hbm>> -> memref<2x1024xi32, #tpu.memory_space<hbm>>
    tpu.enqueue_dma source(%dma_start3A_9 : memref<2x1024xi32, #tpu.memory_space<hbm>>) target(%arg6 : memref<2x1024xi32, #tpu.memory_space<vmem>>) target_semaphore(%arg8 : memref<!tpu.dma_semaphore, #tpu.memory_space<semaphore_mem>>)
    %broadcast_in_dim3A = arith.constant 0.000000e+00 : f32
    %broadcast_in_dim3A_10 = vector.broadcast %broadcast_in_dim3A : f32 to vector<16xf32>
    %scan3A = arith.constant 0 : i32
    %scan3A_11 = arith.constant 0 : i32
    %scan3A_12 = arith.constant 64 : i32
    %scan3A_13 = arith.addi %scan3A_11, %scan3A_12 : i32
    %scan3A_14 = arith.constant 1 : i32
    scf.for %scan3A_29 = %scan3A_11 to %scan3A_13 step %scan3A_14  : i32 {
      %mul3A_30 = arith.constant 16 : i32
      %mul3A_31 = arith.muli %scan3A_29, %mul3A_30 : i32
      %swap3A = arith.constant 0 : i32
      %swap3A_32 = arith.index_cast %swap3A : i32 to index
      %swap3A_33 = arith.index_cast %mul3A_31 : i32 to index
      %swap3A_34 = tpu.vector_load %arg7[%swap3A_32, %swap3A_33] {strides = array<i32>} : memref<8x1024xf32, #tpu.memory_space<vmem>>, vector<16xf32>,
      tpu.vector_store %arg7[%swap3A_32, %swap3A_33], %broadcast_in_dim3A_10 {strides = array<i32>} : memref<8x1024xf32, #tpu.memory_space<vmem>>, vector<16xf32>,
      %mul3A_35 = arith.constant 16 : i32
      %mul3A_36 = arith.muli %scan3A_29, %mul3A_35 : i32
      %swap3A_37 = arith.constant 1 : i32
      %swap3A_38 = arith.index_cast %swap3A_37 : i32 to index
      %swap3A_39 = arith.index_cast %mul3A_36 : i32 to index
      %swap3A_40 = tpu.vector_load %arg7[%swap3A_38, %swap3A_39] {strides = array<i32>} : memref<8x1024xf32, #tpu.memory_space<vmem>>, vector<16xf32>,
      tpu.vector_store %arg7[%swap3A_38, %swap3A_39], %broadcast_in_dim3A_10 {strides = array<i32>} : memref<8x1024xf32, #tpu.memory_space<vmem>>, vector<16xf32>,
      %mul3A_41 = arith.constant 16 : i32
      %mul3A_42 = arith.muli %scan3A_29, %mul3A_41 : i32
      %swap3A_43 = arith.constant 2 : i32
      %swap3A_44 = arith.index_cast %swap3A_43 : i32 to index
      %swap3A_45 = arith.index_cast %mul3A_42 : i32 to index
      %swap3A_46 = tpu.vector_load %arg7[%swap3A_44, %swap3A_45] {strides = array<i32>} : memref<8x1024xf32, #tpu.memory_space<vmem>>, vector<16xf32>,
      tpu.vector_store %arg7[%swap3A_44, %swap3A_45], %broadcast_in_dim3A_10 {strides = array<i32>} : memref<8x1024xf32, #tpu.memory_space<vmem>>, vector<16xf32>,
      %mul3A_47 = arith.constant 16 : i32
      %mul3A_48 = arith.muli %scan3A_29, %mul3A_47 : i32
      %swap3A_49 = arith.constant 3 : i32
      %swap3A_50 = arith.index_cast %swap3A_49 : i32 to index
      %swap3A_51 = arith.index_cast %mul3A_48 : i32 to index
      %swap3A_52 = tpu.vector_load %arg7[%swap3A_50, %swap3A_51] {strides = array<i32>} : memref<8x1024xf32, #tpu.memory_space<vmem>>, vector<16xf32>,
      tpu.vector_store %arg7[%swap3A_50, %swap3A_51], %broadcast_in_dim3A_10 {strides = array<i32>} : memref<8x1024xf32, #tpu.memory_space<vmem>>, vector<16xf32>,
      %mul3A_53 = arith.constant 16 : i32
      %mul3A_54 = arith.muli %scan3A_29, %mul3A_53 : i32
      %swap3A_55 = arith.constant 4 : i32
      %swap3A_56 = arith.index_cast %swap3A_55 : i32 to index
      %swap3A_57 = arith.index_cast %mul3A_54 : i32 to index
      %swap3A_58 = tpu.vector_load %arg7[%swap3A_56, %swap3A_57] {strides = array<i32>} : memref<8x1024xf32, #tpu.memory_space<vmem>>, vector<16xf32>,
      tpu.vector_store %arg7[%swap3A_56, %swap3A_57], %broadcast_in_dim3A_10 {strides = array<i32>} : memref<8x1024xf32, #tpu.memory_space<vmem>>, vector<16xf32>,
      %mul3A_59 = arith.constant 16 : i32
      %mul3A_60 = arith.muli %scan3A_29, %mul3A_59 : i32
      %swap3A_61 = arith.constant 5 : i32
      %swap3A_62 = arith.index_cast %swap3A_61 : i32 to index
      %swap3A_63 = arith.index_cast %mul3A_60 : i32 to index
      %swap3A_64 = tpu.vector_load %arg7[%swap3A_62, %swap3A_63] {strides = array<i32>} : memref<8x1024xf32, #tpu.memory_space<vmem>>, vector<16xf32>,
      tpu.vector_store %arg7[%swap3A_62, %swap3A_63], %broadcast_in_dim3A_10 {strides = array<i32>} : memref<8x1024xf32, #tpu.memory_space<vmem>>, vector<16xf32>,
      %mul3A_65 = arith.constant 16 : i32
      %mul3A_66 = arith.muli %scan3A_29, %mul3A_65 : i32
      %swap3A_67 = arith.constant 6 : i32
      %swap3A_68 = arith.index_cast %swap3A_67 : i32 to index
      %swap3A_69 = arith.index_cast %mul3A_66 : i32 to index
      %swap3A_70 = tpu.vector_load %arg7[%swap3A_68, %swap3A_69] {strides = array<i32>} : memref<8x1024xf32, #tpu.memory_space<vmem>>, vector<16xf32>,
      tpu.vector_store %arg7[%swap3A_68, %swap3A_69], %broadcast_in_dim3A_10 {strides = array<i32>} : memref<8x1024xf32, #tpu.memory_space<vmem>>, vector<16xf32>,
      %mul3A_71 = arith.constant 16 : i32
      %mul3A_72 = arith.muli %scan3A_29, %mul3A_71 : i32
      %swap3A_73 = arith.constant 7 : i32
      %swap3A_74 = arith.index_cast %swap3A_73 : i32 to index
      %swap3A_75 = arith.index_cast %mul3A_72 : i32 to index
      %swap3A_76 = tpu.vector_load %arg7[%swap3A_74, %swap3A_75] {strides = array<i32>} : memref<8x1024xf32, #tpu.memory_space<vmem>>, vector<16xf32>,
      tpu.vector_store %arg7[%swap3A_74, %swap3A_75], %broadcast_in_dim3A_10 {strides = array<i32>} : memref<8x1024xf32, #tpu.memory_space<vmem>>, vector<16xf32>,
    }
    %scan3A_15 = arith.constant 64 : i32
    %dma_wait3A = arith.constant 0 : i32
    %dma_wait3A_16 = tpu.memref_slice %arg2[%dma_wait3A, %mul3A_2] : memref<2x32768xf32, #tpu.memory_space<hbm>> -> memref<2x1024xf32, #tpu.memory_space<hbm>>
    %dma_wait3A_17 = arith.constant 0 : i32
    %dma_wait3A_18 = tpu.memref_slice %arg2[%dma_wait3A_17, %mul3A_2] : memref<2x32768xf32, #tpu.memory_space<hbm>> -> memref<2x1024xf32, #tpu.memory_space<hbm>>
    tpu.wait_dma2 semaphore(%arg8 : memref<!tpu.dma_semaphore, #tpu.memory_space<semaphore_mem>>) src(%dma_wait3A_18 : memref<2x1024xf32, #tpu.memory_space<hbm>>) dst(%arg5 : memref<2x1024xf32, #tpu.memory_space<vmem>>)
    %dma_wait3A_19 = arith.constant 0 : i32
    %dma_wait3A_20 = tpu.memref_slice %arg3[%dma_wait3A_19, %mul3A_2] : memref<2x32768xi32, #tpu.memory_space<hbm>> -> memref<2x1024xi32, #tpu.memory_space<hbm>>
    %dma_wait3A_21 = arith.constant 0 : i32
    %dma_wait3A_22 = tpu.memref_slice %arg3[%dma_wait3A_21, %mul3A_2] : memref<2x32768xi32, #tpu.memory_space<hbm>> -> memref<2x1024xi32, #tpu.memory_space<hbm>>
    tpu.wait_dma2 semaphore(%arg8 : memref<!tpu.dma_semaphore, #tpu.memory_space<semaphore_mem>>) src(%dma_wait3A_22 : memref<2x1024xi32, #tpu.memory_space<hbm>>) dst(%arg6 : memref<2x1024xi32, #tpu.memory_space<vmem>>)
    %iota3A = tpu.iota {dimensions = array<i32: 0>} : vector<16xi32>
    %scan3A_23 = arith.constant 0 : i32
    %scan3A_24 = arith.constant 0 : i32
    %scan3A_25 = arith.constant 64 : i32
    %scan3A_26 = arith.addi %scan3A_24, %scan3A_25 : i32
    %scan3A_27 = arith.constant 1 : i32
    scf.for %scan3A_29 = %scan3A_24 to %scan3A_26 step %scan3A_27  : i32 {
      %mul3A_30 = arith.constant 16 : i32
      %mul3A_31 = arith.muli %scan3A_29, %mul3A_30 : i32
      %get3A = arith.constant 0 : i32
      %get3A_32 = arith.index_cast %get3A : i32 to index
      %get3A_33 = arith.index_cast %mul3A_31 : i32 to index
      %get3A_34 = tpu.vector_load %arg5[%get3A_32, %get3A_33] {strides = array<i32>} : memref<2x1024xf32, #tpu.memory_space<vmem>>, vector<16xf32>,
      %mul3A_35 = arith.constant 16 : i32
      %mul3A_36 = arith.muli %scan3A_29, %mul3A_35 : i32
      %get3A_37 = arith.constant 1 : i32
      %get3A_38 = arith.index_cast %get3A_37 : i32 to index
      %get3A_39 = arith.index_cast %mul3A_36 : i32 to index
      %get3A_40 = tpu.vector_load %arg5[%get3A_38, %get3A_39] {strides = array<i32>} : memref<2x1024xf32, #tpu.memory_space<vmem>>, vector<16xf32>,
      %mul3A_41 = arith.constant 16 : i32
      %mul3A_42 = arith.muli %scan3A_29, %mul3A_41 : i32
      %get3A_43 = arith.constant 0 : i32
      %get3A_44 = arith.index_cast %get3A_43 : i32 to index
      %get3A_45 = arith.index_cast %mul3A_42 : i32 to index
      %get3A_46 = tpu.vector_load %arg6[%get3A_44, %get3A_45] {strides = array<i32>} : memref<2x1024xi32, #tpu.memory_space<vmem>>, vector<16xi32>,
      %mul3A_47 = arith.constant 16 : i32
      %mul3A_48 = arith.muli %scan3A_29, %mul3A_47 : i32
      %get3A_49 = arith.constant 1 : i32
      %get3A_50 = arith.index_cast %get3A_49 : i32 to index
      %get3A_51 = arith.index_cast %mul3A_48 : i32 to index
      %get3A_52 = tpu.vector_load %arg6[%get3A_50, %get3A_51] {strides = array<i32>} : memref<2x1024xi32, #tpu.memory_space<vmem>>, vector<16xi32>,
      %mul3A_53 = arith.constant 16 : i32
      %mul3A_54 = arith.muli %scan3A_29, %mul3A_53 : i32
      %add3A_55 = vector.broadcast %mul3A_54 : i32 to vector<16xi32>
      %add3A_56 = arith.addi %add3A_55, %iota3A : vector<16xi32>
      tpu.vector_store_idx %arg7[%get3A_46, %add3A_56], %get3A_34 : memref<8x1024xf32, #tpu.memory_space<vmem>>[vector<16xi32>, vector<16xi32>], vector<16xf32>,
      tpu.vector_store_idx %arg7[%get3A_52, %add3A_56], %get3A_40 : memref<8x1024xf32, #tpu.memory_space<vmem>>[vector<16xi32>, vector<16xi32>], vector<16xf32>,
    }
    %scan3A_28 = arith.constant 64 : i32
    "tpu.region"() ({
      %run_scoped3A = tpu.sem_alloc : memref<!tpu.dma_semaphore, #tpu.memory_space<semaphore_mem>>
      %dma_start3A_29 = arith.constant 0 : i32
      %dma_start3A_30 = tpu.memref_slice %arg4[%dma_start3A_29, %mul3A_2] : memref<8x32768xf32, #tpu.memory_space<hbm>> -> memref<8x1024xf32, #tpu.memory_space<hbm>>
      %dma_start3A_31 = arith.constant 0 : i32
      %dma_start3A_32 = tpu.memref_slice %arg4[%dma_start3A_31, %mul3A_2] : memref<8x32768xf32, #tpu.memory_space<hbm>> -> memref<8x1024xf32, #tpu.memory_space<hbm>>
      tpu.enqueue_dma source(%arg7 : memref<8x1024xf32, #tpu.memory_space<vmem>>) target(%dma_start3A_32 : memref<8x1024xf32, #tpu.memory_space<hbm>>) target_semaphore(%run_scoped3A : memref<!tpu.dma_semaphore, #tpu.memory_space<semaphore_mem>>)
      %dma_wait3A_33 = arith.constant 0 : i32
      %dma_wait3A_34 = tpu.memref_slice %arg4[%dma_wait3A_33, %mul3A_2] : memref<8x32768xf32, #tpu.memory_space<hbm>> -> memref<8x1024xf32, #tpu.memory_space<hbm>>
      %dma_wait3A_35 = arith.constant 0 : i32
      %dma_wait3A_36 = tpu.memref_slice %arg4[%dma_wait3A_35, %mul3A_2] : memref<8x32768xf32, #tpu.memory_space<hbm>> -> memref<8x1024xf32, #tpu.memory_space<hbm>>
      tpu.wait_dma2 semaphore(%run_scoped3A : memref<!tpu.dma_semaphore, #tpu.memory_space<semaphore_mem>>) src(%arg7 : memref<8x1024xf32, #tpu.memory_space<vmem>>) dst(%dma_wait3A_36 : memref<8x1024xf32, #tpu.memory_space<hbm>>)
      tpu.yield
    }) : () -> ()
    return
  }
}

module attributes {stable_mosaic.version = 14 : i64} {
  func.func @_logits_body(%arg0: i32, %arg1: memref<2048x768xf32, #tpu.memory_space<vmem>>, %arg2: memref<8x768xf32, #tpu.memory_space<vmem>>, %arg3: memref<8x1xf32, #tpu.memory_space<vmem>>, %arg4: memref<2x2048xf32, #tpu.memory_space<vmem>>, %arg5: memref<2x2048xi32, #tpu.memory_space<vmem>>) attributes {dimension_semantics = [#tpu.dimension_semantics<parallel>], iteration_bounds = array<i64: 16>, scalar_prefetch = 0 : i64, scratch_operands = 0 : i64, tpu.core_type = #tpu.core_type<tc>, window_params = [{transform_indices = @transform_0, window_bounds = array<i64: 2048, 768>}, {pipeline_mode = #tpu.pipeline_mode<synchronous>, transform_indices = @transform_1, window_bounds = array<i64: 8, 768>}, {pipeline_mode = #tpu.pipeline_mode<synchronous>, transform_indices = @transform_2, window_bounds = array<i64: 8, 1>}, {transform_indices = @transform_3, window_bounds = array<i64: 2, 2048>}, {transform_indices = @transform_4, window_bounds = array<i64: 2, 2048>}]} {
    %get3A = arith.constant 0 : index
    %get3A_0 = arith.constant 0 : index
    %get3A_1 = vector.load %arg1[%get3A, %get3A_0] : memref<2048x768xf32, #tpu.memory_space<vmem>>, vector<2048x768xf32>
    %get3A_2 = arith.constant 0 : index
    %get3A_3 = arith.constant 0 : index
    %get3A_4 = vector.load %arg2[%get3A_2, %get3A_3] : memref<8x768xf32, #tpu.memory_space<vmem>>, vector<8x768xf32>
    %dot_general3A = arith.constant dense<0.000000e+00> : vector<8x2048xf32>
    %dot_general3A_5 = tpu.matmul %get3A_4, %get3A_1, %dot_general3A {dimension_numbers = #tpu.dot_dimension_numbers<[1], [1], [0], [0], [0, 0, 1, 0], [], []>, transpose_lhs_hint = false} : vector<8x768xf32>, vector<2048x768xf32>, vector<8x2048xf32> -> vector<8x2048xf32>
    %get3A_6 = arith.constant 0 : index
    %get3A_7 = arith.constant 0 : index
    %get3A_8 = vector.load %arg3[%get3A_6, %get3A_7] : memref<8x1xf32, #tpu.memory_space<vmem>>, vector<8x1xf32>
    %add3A = vector.broadcast %get3A_8 : vector<8x1xf32> to vector<8x2048xf32>
    %add3A_9 = arith.addf %dot_general3A_5, %add3A : vector<8x2048xf32>
    %slice3A = vector.extract_strided_slice %add3A_9 {offsets = [0, 0], sizes = [1, 2048], strides = [1, 1]} : vector<8x2048xf32> to vector<1x2048xf32>
    %slice3A_10 = vector.extract_strided_slice %add3A_9 {offsets = [1, 0], sizes = [1, 2048], strides = [1, 1]} : vector<8x2048xf32> to vector<1x2048xf32>
    %slice3A_11 = vector.extract_strided_slice %add3A_9 {offsets = [2, 0], sizes = [1, 2048], strides = [1, 1]} : vector<8x2048xf32> to vector<1x2048xf32>
    %slice3A_12 = vector.extract_strided_slice %add3A_9 {offsets = [3, 0], sizes = [1, 2048], strides = [1, 1]} : vector<8x2048xf32> to vector<1x2048xf32>
    %slice3A_13 = vector.extract_strided_slice %add3A_9 {offsets = [4, 0], sizes = [1, 2048], strides = [1, 1]} : vector<8x2048xf32> to vector<1x2048xf32>
    %slice3A_14 = vector.extract_strided_slice %add3A_9 {offsets = [5, 0], sizes = [1, 2048], strides = [1, 1]} : vector<8x2048xf32> to vector<1x2048xf32>
    %slice3A_15 = vector.extract_strided_slice %add3A_9 {offsets = [6, 0], sizes = [1, 2048], strides = [1, 1]} : vector<8x2048xf32> to vector<1x2048xf32>
    %slice3A_16 = vector.extract_strided_slice %add3A_9 {offsets = [7, 0], sizes = [1, 2048], strides = [1, 1]} : vector<8x2048xf32> to vector<1x2048xf32>
    %broadcast_in_dim3A = arith.constant 0 : i32
    %broadcast_in_dim3A_17 = vector.broadcast %broadcast_in_dim3A : i32 to vector<1x2048xi32>
    %gt3A = arith.cmpf ogt, %slice3A_10, %slice3A : vector<1x2048xf32>
    %select_n3A = arith.select %gt3A, %slice3A_10, %slice3A : vector<1x2048xi1>, vector<1x2048xf32>
    %jit3A = arith.constant 1 : i32
    %broadcast_in_dim3A_18 = vector.broadcast %jit3A : i32 to vector<1x2048xi32>
    %select_n3A_19 = arith.select %gt3A, %broadcast_in_dim3A_18, %broadcast_in_dim3A_17 : vector<1x2048xi1>, vector<1x2048xi32>
    %gt3A_20 = arith.cmpf ogt, %slice3A_11, %select_n3A : vector<1x2048xf32>
    %select_n3A_21 = arith.select %gt3A_20, %slice3A_11, %select_n3A : vector<1x2048xi1>, vector<1x2048xf32>
    %jit3A_22 = arith.constant 2 : i32
    %broadcast_in_dim3A_23 = vector.broadcast %jit3A_22 : i32 to vector<1x2048xi32>
    %select_n3A_24 = arith.select %gt3A_20, %broadcast_in_dim3A_23, %select_n3A_19 : vector<1x2048xi1>, vector<1x2048xi32>
    %gt3A_25 = arith.cmpf ogt, %slice3A_12, %select_n3A_21 : vector<1x2048xf32>
    %select_n3A_26 = arith.select %gt3A_25, %slice3A_12, %select_n3A_21 : vector<1x2048xi1>, vector<1x2048xf32>
    %jit3A_27 = arith.constant 3 : i32
    %broadcast_in_dim3A_28 = vector.broadcast %jit3A_27 : i32 to vector<1x2048xi32>
    %select_n3A_29 = arith.select %gt3A_25, %broadcast_in_dim3A_28, %select_n3A_24 : vector<1x2048xi1>, vector<1x2048xi32>
    %gt3A_30 = arith.cmpf ogt, %slice3A_13, %select_n3A_26 : vector<1x2048xf32>
    %select_n3A_31 = arith.select %gt3A_30, %slice3A_13, %select_n3A_26 : vector<1x2048xi1>, vector<1x2048xf32>
    %jit3A_32 = arith.constant 4 : i32
    %broadcast_in_dim3A_33 = vector.broadcast %jit3A_32 : i32 to vector<1x2048xi32>
    %select_n3A_34 = arith.select %gt3A_30, %broadcast_in_dim3A_33, %select_n3A_29 : vector<1x2048xi1>, vector<1x2048xi32>
    %gt3A_35 = arith.cmpf ogt, %slice3A_14, %select_n3A_31 : vector<1x2048xf32>
    %select_n3A_36 = arith.select %gt3A_35, %slice3A_14, %select_n3A_31 : vector<1x2048xi1>, vector<1x2048xf32>
    %jit3A_37 = arith.constant 5 : i32
    %broadcast_in_dim3A_38 = vector.broadcast %jit3A_37 : i32 to vector<1x2048xi32>
    %select_n3A_39 = arith.select %gt3A_35, %broadcast_in_dim3A_38, %select_n3A_34 : vector<1x2048xi1>, vector<1x2048xi32>
    %gt3A_40 = arith.cmpf ogt, %slice3A_15, %select_n3A_36 : vector<1x2048xf32>
    %select_n3A_41 = arith.select %gt3A_40, %slice3A_15, %select_n3A_36 : vector<1x2048xi1>, vector<1x2048xf32>
    %jit3A_42 = arith.constant 6 : i32
    %broadcast_in_dim3A_43 = vector.broadcast %jit3A_42 : i32 to vector<1x2048xi32>
    %select_n3A_44 = arith.select %gt3A_40, %broadcast_in_dim3A_43, %select_n3A_39 : vector<1x2048xi1>, vector<1x2048xi32>
    %gt3A_45 = arith.cmpf ogt, %slice3A_16, %select_n3A_41 : vector<1x2048xf32>
    %select_n3A_46 = arith.select %gt3A_45, %slice3A_16, %select_n3A_41 : vector<1x2048xi1>, vector<1x2048xf32>
    %jit3A_47 = arith.constant 7 : i32
    %broadcast_in_dim3A_48 = vector.broadcast %jit3A_47 : i32 to vector<1x2048xi32>
    %select_n3A_49 = arith.select %gt3A_45, %broadcast_in_dim3A_48, %select_n3A_44 : vector<1x2048xi1>, vector<1x2048xi32>
    %ne3A = arith.constant 0 : i32
    %ne3A_50 = vector.broadcast %ne3A : i32 to vector<1x2048xi32>
    %ne3A_51 = arith.cmpi ne, %select_n3A_49, %ne3A_50 : vector<1x2048xi32>
    %select_n3A_52 = arith.select %ne3A_51, %slice3A, %slice3A_10 : vector<1x2048xi1>, vector<1x2048xf32>
    %jit3A_53 = arith.constant 0 : i32
    %jit3A_54 = arith.constant 1 : i32
    %broadcast_in_dim3A_55 = vector.broadcast %jit3A_53 : i32 to vector<1x2048xi32>
    %broadcast_in_dim3A_56 = vector.broadcast %jit3A_54 : i32 to vector<1x2048xi32>
    %select_n3A_57 = arith.select %ne3A_51, %broadcast_in_dim3A_55, %broadcast_in_dim3A_56 : vector<1x2048xi1>, vector<1x2048xi32>
    %gt3A_58 = arith.cmpf ogt, %slice3A_10, %select_n3A_52 : vector<1x2048xf32>
    %ne3A_59 = arith.constant 1 : i32
    %ne3A_60 = vector.broadcast %ne3A_59 : i32 to vector<1x2048xi32>
    %ne3A_61 = arith.cmpi ne, %select_n3A_49, %ne3A_60 : vector<1x2048xi32>
    %and3A = arith.andi %gt3A_58, %ne3A_61 : vector<1x2048xi1>
    %select_n3A_62 = arith.select %and3A, %slice3A_10, %select_n3A_52 : vector<1x2048xi1>, vector<1x2048xf32>
    %jit3A_63 = arith.constant 1 : i32
    %broadcast_in_dim3A_64 = vector.broadcast %jit3A_63 : i32 to vector<1x2048xi32>
    %select_n3A_65 = arith.select %and3A, %broadcast_in_dim3A_64, %select_n3A_57 : vector<1x2048xi1>, vector<1x2048xi32>
    %gt3A_66 = arith.cmpf ogt, %slice3A_11, %select_n3A_62 : vector<1x2048xf32>
    %ne3A_67 = arith.constant 2 : i32
    %ne3A_68 = vector.broadcast %ne3A_67 : i32 to vector<1x2048xi32>
    %ne3A_69 = arith.cmpi ne, %select_n3A_49, %ne3A_68 : vector<1x2048xi32>
    %and3A_70 = arith.andi %gt3A_66, %ne3A_69 : vector<1x2048xi1>
    %select_n3A_71 = arith.select %and3A_70, %slice3A_11, %select_n3A_62 : vector<1x2048xi1>, vector<1x2048xf32>
    %jit3A_72 = arith.constant 2 : i32
    %broadcast_in_dim3A_73 = vector.broadcast %jit3A_72 : i32 to vector<1x2048xi32>
    %select_n3A_74 = arith.select %and3A_70, %broadcast_in_dim3A_73, %select_n3A_65 : vector<1x2048xi1>, vector<1x2048xi32>
    %gt3A_75 = arith.cmpf ogt, %slice3A_12, %select_n3A_71 : vector<1x2048xf32>
    %ne3A_76 = arith.constant 3 : i32
    %ne3A_77 = vector.broadcast %ne3A_76 : i32 to vector<1x2048xi32>
    %ne3A_78 = arith.cmpi ne, %select_n3A_49, %ne3A_77 : vector<1x2048xi32>
    %and3A_79 = arith.andi %gt3A_75, %ne3A_78 : vector<1x2048xi1>
    %select_n3A_80 = arith.select %and3A_79, %slice3A_12, %select_n3A_71 : vector<1x2048xi1>, vector<1x2048xf32>
    %jit3A_81 = arith.constant 3 : i32
    %broadcast_in_dim3A_82 = vector.broadcast %jit3A_81 : i32 to vector<1x2048xi32>
    %select_n3A_83 = arith.select %and3A_79, %broadcast_in_dim3A_82, %select_n3A_74 : vector<1x2048xi1>, vector<1x2048xi32>
    %gt3A_84 = arith.cmpf ogt, %slice3A_13, %select_n3A_80 : vector<1x2048xf32>
    %ne3A_85 = arith.constant 4 : i32
    %ne3A_86 = vector.broadcast %ne3A_85 : i32 to vector<1x2048xi32>
    %ne3A_87 = arith.cmpi ne, %select_n3A_49, %ne3A_86 : vector<1x2048xi32>
    %and3A_88 = arith.andi %gt3A_84, %ne3A_87 : vector<1x2048xi1>
    %select_n3A_89 = arith.select %and3A_88, %slice3A_13, %select_n3A_80 : vector<1x2048xi1>, vector<1x2048xf32>
    %jit3A_90 = arith.constant 4 : i32
    %broadcast_in_dim3A_91 = vector.broadcast %jit3A_90 : i32 to vector<1x2048xi32>
    %select_n3A_92 = arith.select %and3A_88, %broadcast_in_dim3A_91, %select_n3A_83 : vector<1x2048xi1>, vector<1x2048xi32>
    %gt3A_93 = arith.cmpf ogt, %slice3A_14, %select_n3A_89 : vector<1x2048xf32>
    %ne3A_94 = arith.constant 5 : i32
    %ne3A_95 = vector.broadcast %ne3A_94 : i32 to vector<1x2048xi32>
    %ne3A_96 = arith.cmpi ne, %select_n3A_49, %ne3A_95 : vector<1x2048xi32>
    %and3A_97 = arith.andi %gt3A_93, %ne3A_96 : vector<1x2048xi1>
    %select_n3A_98 = arith.select %and3A_97, %slice3A_14, %select_n3A_89 : vector<1x2048xi1>, vector<1x2048xf32>
    %jit3A_99 = arith.constant 5 : i32
    %broadcast_in_dim3A_100 = vector.broadcast %jit3A_99 : i32 to vector<1x2048xi32>
    %select_n3A_101 = arith.select %and3A_97, %broadcast_in_dim3A_100, %select_n3A_92 : vector<1x2048xi1>, vector<1x2048xi32>
    %gt3A_102 = arith.cmpf ogt, %slice3A_15, %select_n3A_98 : vector<1x2048xf32>
    %ne3A_103 = arith.constant 6 : i32
    %ne3A_104 = vector.broadcast %ne3A_103 : i32 to vector<1x2048xi32>
    %ne3A_105 = arith.cmpi ne, %select_n3A_49, %ne3A_104 : vector<1x2048xi32>
    %and3A_106 = arith.andi %gt3A_102, %ne3A_105 : vector<1x2048xi1>
    %select_n3A_107 = arith.select %and3A_106, %slice3A_15, %select_n3A_98 : vector<1x2048xi1>, vector<1x2048xf32>
    %jit3A_108 = arith.constant 6 : i32
    %broadcast_in_dim3A_109 = vector.broadcast %jit3A_108 : i32 to vector<1x2048xi32>
    %select_n3A_110 = arith.select %and3A_106, %broadcast_in_dim3A_109, %select_n3A_101 : vector<1x2048xi1>, vector<1x2048xi32>
    %gt3A_111 = arith.cmpf ogt, %slice3A_16, %select_n3A_107 : vector<1x2048xf32>
    %ne3A_112 = arith.constant 7 : i32
    %ne3A_113 = vector.broadcast %ne3A_112 : i32 to vector<1x2048xi32>
    %ne3A_114 = arith.cmpi ne, %select_n3A_49, %ne3A_113 : vector<1x2048xi32>
    %and3A_115 = arith.andi %gt3A_111, %ne3A_114 : vector<1x2048xi1>
    %select_n3A_116 = arith.select %and3A_115, %slice3A_16, %select_n3A_107 : vector<1x2048xi1>, vector<1x2048xf32>
    %jit3A_117 = arith.constant 7 : i32
    %broadcast_in_dim3A_118 = vector.broadcast %jit3A_117 : i32 to vector<1x2048xi32>
    %select_n3A_119 = arith.select %and3A_115, %broadcast_in_dim3A_118, %select_n3A_110 : vector<1x2048xi1>, vector<1x2048xi32>
    %sub3A = arith.subf %select_n3A_116, %select_n3A_46 : vector<1x2048xf32>
    %exp3A = math.exp %sub3A : vector<1x2048xf32>
    %add3A_120 = arith.constant 1.000000e+00 : f32
    %add3A_121 = vector.broadcast %add3A_120 : f32 to vector<1x2048xf32>
    %add3A_122 = arith.addf %add3A_121, %exp3A : vector<1x2048xf32>
    %div3A = arith.constant 1.000000e+00 : f32
    %div3A_123 = vector.broadcast %div3A : f32 to vector<1x2048xf32>
    %div3A_124 = arith.divf %div3A_123, %add3A_122 : vector<1x2048xf32>
    %sub3A_125 = arith.constant 1.000000e+00 : f32
    %sub3A_126 = vector.broadcast %sub3A_125 : f32 to vector<1x2048xf32>
    %sub3A_127 = arith.subf %sub3A_126, %div3A_124 : vector<1x2048xf32>
    %concatenate3A = tpu.concatenate %div3A_124, %sub3A_127 in 0 : vector<1x2048xf32>, vector<1x2048xf32> -> vector<2x2048xf32>
    %swap3A = arith.constant 0 : index
    %swap3A_128 = arith.constant 0 : index
    %swap3A_129 = vector.load %arg4[%swap3A, %swap3A_128] : memref<2x2048xf32, #tpu.memory_space<vmem>>, vector<2x2048xf32>
    tpu.vector_store %arg4[%swap3A, %swap3A_128], %concatenate3A {strides = array<i32>} : memref<2x2048xf32, #tpu.memory_space<vmem>>, vector<2x2048xf32>,
    %concatenate3A_130 = tpu.concatenate %select_n3A_49, %select_n3A_119 in 0 : vector<1x2048xi32>, vector<1x2048xi32> -> vector<2x2048xi32>
    %swap3A_131 = arith.constant 0 : index
    %swap3A_132 = arith.constant 0 : index
    %swap3A_133 = vector.load %arg5[%swap3A_131, %swap3A_132] : memref<2x2048xi32, #tpu.memory_space<vmem>>, vector<2x2048xi32>
    tpu.vector_store %arg5[%swap3A_131, %swap3A_132], %concatenate3A_130 {strides = array<i32>} : memref<2x2048xi32, #tpu.memory_space<vmem>>, vector<2x2048xi32>,
    return
  }
  func.func @transform_0(%arg0: i32) -> (i32, i32) {
    %c0_i32 = arith.constant 0 : i32
    %c0_i32_0 = arith.constant 0 : i32
    return %arg0, %c0_i32 : i32, i32
  }
  func.func @transform_1(%arg0: i32) -> (i32, i32) {
    %c0_i32 = arith.constant 0 : i32
    %c0_i32_0 = arith.constant 0 : i32
    %c0_i32_1 = arith.constant 0 : i32
    return %c0_i32, %c0_i32_0 : i32, i32
  }
  func.func @transform_2(%arg0: i32) -> (i32, i32) {
    %c0_i32 = arith.constant 0 : i32
    %c0_i32_0 = arith.constant 0 : i32
    %c0_i32_1 = arith.constant 0 : i32
    return %c0_i32, %c0_i32_0 : i32, i32
  }
  func.func @transform_3(%arg0: i32) -> (i32, i32) {
    %c0_i32 = arith.constant 0 : i32
    %c0_i32_0 = arith.constant 0 : i32
    return %c0_i32, %arg0 : i32, i32
  }
  func.func @transform_4(%arg0: i32) -> (i32, i32) {
    %c0_i32 = arith.constant 0 : i32
    %c0_i32_0 = arith.constant 0 : i32
    return %c0_i32, %arg0 : i32, i32
  }
}

</mosaic_0001>

<sc_bundles>
// kernel: kernel.4.cloned.1.call-start
scs
__scs_entry_jumppad:
0x0: {  	(pc) =	sbr.rel $0x88, $3  }
0x1: {  	(tag) =	ssettag $0x0;
	lr =	simm.s32 $0x1  }
0x2: {  	[smem:$0x3F9E] =	sst lr;
	_ =	strace $0xD0000000  }
0x3: {  	_ = 	snop  }
0x4: {  	_ = 	snop  }
0x5: {  	_ = 	snop  }
0x6: {  	_ = 	snop  }
0x7: {  	_ = 	snop  }
__scs_overlays_trampoline_lowered:
0x8: {  	[smem:$0x3FAD] =	sst s0  }
0x9: {  	[smem:$0x3FAE] =	sst s1  }
0xa: {  	[smem:$0x3FAF] =	sst s2  }
0xb: {  	[smem:$0x3FB0] =	sst s3  }
0xc: {  	[smem:$0x3FB1] =	sst s4  }
0xd: {  	[smem:$0x3FB2] =	sst s5  }
0xe: {  	[smem:$0x3FB3] =	sst s6  }
0xf: {  	[smem:$0x3FB4] =	sst s7  }
0x10: {  	[smem:$0x3FB5] =	sst s8  }
0x11: {  	[smem:$0x3FB6] =	sst s9;
	s0 =	simm.s32 @!p0 $0x0  }
0x12: {  	s1 =	sld [smem:$0x3F9C];
	s0 =	simm.s32 @p0 $0x1  }
0x13: {  	[smem:$0x3FB7] =	sst s0;
	s0 =	simm.s32 @!p1 $0x0  }
0x14: {  	s2 =	sld [smem:$0x3F9B];
	s0 =	simm.s32 @p1 $0x1  }
0x15: {  	[smem:$0x3FB8] =	sst s0;
	s0 =	simm.s32 @!p2 $0x0  }
0x16: {  	s3 =	sld [smem:$0x3FDB];
	s0 =	simm.s32 @p2 $0x1  }
0x17: {  	s4 =	simm.s32 $0x1BF5;
	[smem:$0x3FBA] =	sst s0  }
0x18: {  	s0 =	sld [smem:$0x3F9D];
	_ =	swait.ge [sflag:s4], $0x0  }
0x19: {  	s7 =	sld [smem:$0x3F9E]  }
0x1a: {  	s8 =	sadd.s32 $0xFFFFE003, lr  }
0x1b: {  	s9 =	sadd.s32 $0xFFFFFEF7, lr;
	s5 =	simm.s32 $0xFFFFFFFF;
	p2 =	slt.u32 s8, $0xFFFFF086  }
0x1c: {  	p1 =	slt.u32 s9, $0xF7A;
	s5 =	simm.s32 @!p2 $0x0  }
0x1d: {  	s5 =	simm.s32 @p1 $0x1;
	p0 =	seq.s32 s7, s2  }
0x1e: {  	s7 =	smul.u32 @!p0 $0xF7A, s2;
	p2 =	seq.s32 @!p0 s5, $0x0  }
0x1f: {  	s9 =	smul.u32 $0xF7A, s1;
	s8 =	simm.s32 @!p0 $0x1BF5;
	p2 =	por !p2, p0  }
0x20: {  	[sflag:s8] =	ssyncset.s32 @!p0 $0xFFFFF086;
	s6 =	sadd.s32 @!p0 s3, s7;
	s7 =	simm.s32 @!p0 $0x108  }
0x21: {  	s3 =	sadd.s32 s3, s9;
	s6 =	sadd.s32 @!p0 $0x88, s6;
	s7 =	simm.s32 @p2 $0x1082  }
0x22: {  	[simem:s7], [sflag:s8] =	dma.local @!p0 [hbm:s6], $0xF7A  }
0x23: {  	s9 =	sor.u32 $0xD0000000, s2;
	s6 =	simm.s32 $0x108;
	_ =	swait.ge @!p0 [sflag:s8], $0x0  }
0x24: {  	s3 =	sadd.s32 $0x88, s3;
	s6 =	simm.s32 @!p1 $0x1082;
	[sflag:s4] =	ssyncset.s32 $0xFFFFF086  }
0x25: {  	[simem:s6], [sflag:s4] =	dma.local [hbm:s3], $0xF7A  }
0x26: {  	[smem:$0x3F9E] =	sst s1;
	(tag) =	ssettag s2;
	_ =	strace s9  }
0x27: {  	s1 =	sld [smem:$0x3FAE]  }
0x28: {  	s2 =	sld [smem:$0x3FAF]  }
0x29: {  	s4 =	sld [smem:$0x3FB1]  }
0x2a: {  	p0 =	seq.s32 s5, $0x0;
	s5 =	sld [smem:$0x3FB2]  }
0x2b: {  	s6 =	sld [smem:$0x3FB3]  }
0x2c: {  	s7 =	sld [smem:$0x3FB4]  }
0x2d: {  	s3 =	simm.s32 $0x108;
	s8 =	sld [smem:$0x3FB5]  }
0x2e: {  	s3 =	simm.s32 @!p0 $0x1082;
	s9 =	sld [smem:$0x3FB6]  }
0x2f: {  	lr =	sadd.s32 s0, s3;
	s0 =	sld [smem:$0x3FAD]  }
0x30: {  	s3 =	sld [smem:$0x3FB0]  }
0x31: {  	[smem:$0x3FB9] =	sst s10  }
0x32: {  	s10 =	sld [smem:$0x3FB7];
	_ =	sdelay $0x3  }
0x33: {  	p0 =	seq.s32 s10, $0x1;
	s10 =	sld [smem:$0x3FB9];
	_ =	sdelay $0x3  }
0x34: {  	[smem:$0x3FB9] =	sst s10  }
0x35: {  	s10 =	sld [smem:$0x3FB8];
	_ =	sdelay $0x3  }
0x36: {  	p1 =	seq.s32 s10, $0x1;
	s10 =	sld [smem:$0x3FB9];
	_ =	sdelay $0x3  }
0x37: {  	[smem:$0x3FB9] =	sst s10  }
0x38: {  	s10 =	sld [smem:$0x3FBA]  }
0x39: {  	_ = 	snop;
	(pc) =	sbr.ind lr, $3  }
0x3a: {  	_ = 	snop  }
0x3b: {  	_ = 	snop  }
0x3c: {  	p2 =	seq.s32 s10, $0x1;
	s10 =	sld [smem:$0x3FB9]  }
0x3d: {  	_ =	shalt  }
0x3e: {  	_ =	shalt  }
0x3f: {  	_ =	shalt  }
0x40: {  	_ =	shalt  }
0x41: {  	_ =	shalt  }
0x42: {  	_ =	shalt  }
0x43: {  	_ =	shalt  }
0x44: {  	_ =	shalt  }
0x45: {  	_ =	shalt  }
0x46: {  	_ =	shalt  }
0x47: {  	_ =	shalt  }
0x48: {  	_ =	shalt  }
0x49: {  	_ =	shalt  }
0x4a: {  	_ =	shalt  }
0x4b: {  	_ =	shalt  }
0x4c: {  	_ =	shalt  }
0x4d: {  	_ =	shalt  }
0x4e: {  	_ =	shalt  }
0x4f: {  	_ =	shalt  }
0x50: {  	_ =	shalt  }
0x51: {  	_ =	shalt  }
0x52: {  	_ =	shalt  }
0x53: {  	_ =	shalt  }
0x54: {  	_ =	shalt  }
0x55: {  	_ =	shalt  }
0x56: {  	_ =	shalt  }
0x57: {  	_ =	shalt  }
0x58: {  	_ =	shalt  }
0x59: {  	_ =	shalt  }
0x5a: {  	_ =	shalt  }
0x5b: {  	_ =	shalt  }
0x5c: {  	_ =	shalt  }
0x5d: {  	_ =	shalt  }
0x5e: {  	_ =	shalt  }
0x5f: {  	_ =	shalt  }
0x60: {  	_ =	shalt  }
0x61: {  	_ =	shalt  }
0x62: {  	_ =	shalt  }
0x63: {  	_ =	shalt  }
0x64: {  	_ =	shalt  }
0x65: {  	_ =	shalt  }
0x66: {  	_ =	shalt  }
0x67: {  	_ =	shalt  }
0x68: {  	_ =	shalt  }
0x69: {  	_ =	shalt  }
0x6a: {  	_ =	shalt  }
0x6b: {  	_ =	shalt  }
0x6c: {  	_ =	shalt  }
0x6d: {  	_ =	shalt  }
0x6e: {  	_ =	shalt  }
0x6f: {  	_ =	shalt  }
0x70: {  	_ =	shalt  }
0x71: {  	_ =	shalt  }
0x72: {  	_ =	shalt  }
0x73: {  	_ =	shalt  }
0x74: {  	_ =	shalt  }
0x75: {  	_ =	shalt  }
0x76: {  	_ =	shalt  }
0x77: {  	_ =	shalt  }
0x78: {  	_ =	shalt  }
0x79: {  	_ =	shalt  }
0x7a: {  	_ =	shalt  }
0x7b: {  	_ =	shalt  }
0x7c: {  	_ =	shalt  }
0x7d: {  	_ =	shalt  }
0x7e: {  	_ =	shalt  }
0x7f: {  	_ =	shalt  }
0x80: {  	_ =	shalt  }
0x81: {  	_ =	shalt  }
0x82: {  	_ =	shalt  }
0x83: {  	_ =	shalt  }
0x84: {  	_ =	shalt  }
0x85: {  	_ =	shalt  }
0x86: {  	_ =	shalt  }
0x87: {  	_ =	shalt  }
.Lfunc_end0:
.L_simem_size_0:
called_computation_lowered:
.L_overlay_start_0:
0x88: {  	s2 =	sld [smem:$0x3FD9]  }
0x89: {  	s3 =	sld [smem:$0x3FFE];
	_ =	sdelay $0x1  }
0x8a: {  	s1 =	srdreg.scid  }
0x8b: {  	s0 =	sand.u32 $0x1, s1  }
0x8c: {  	s14 =	sshll.u32 s0, $0xA;
	s2 =	sadd.s32 s3, s2  }
0x8d: {  	s2 =	sadd.s32 s2, s14  }
0x8e: {  	[smem:$0x3FC5] =	sst s2  }
0x8f: {  	_ = 	snop  }
0x90: {  	s2 =	sld [smem:$0x3FD0];
	_ =	sdelay $0x2  }
0x91: {  	s15 =	simm.s32 $0xA;
	s4 =	simm.s32 $0x10  }
0x92: {  	[smem:s4], [sflag:s15] =	dma.local [hbm:s2], $0x1  }
0x93: {  	_ =	swait.eq [sflag:s15], $0x1  }
0x94: {  	[sflag:s15] =	ssyncset.done $0x0  }
0x95: {  	s16 =	sld [smem:$0x10];
	[sflag:s15] =	ssyncadd.s32 $0xFFFFFFFF  }
0x96: {  	s17 =	sld [smem:$0x11];
	(tm) =	ssettm $0x1  }
0x97: {  	s18 =	sld [smem:$0x3FFB];
	_ =	sdelay $0x3  }
0x98: {  	_ =	strace s18  }
0x99: {  	s4 =	sld [smem:$0x3FFC];
	_ =	sdelay $0x3  }
0x9a: {  	_ =	strace s4  }
0x9b: {  	s4 =	sld [smem:$0x3FFD];
	_ =	sdelay $0x3  }
0x9c: {  	_ =	strace s4  }
0x9d: {  	_ =	strace $0x8FFFFFFF  }
0x9e: {  	s19 =	sld [smem:$0x3FDB];
	_ =	sdelay $0x1  }
0x9f: {  	s5 =	simm.s32 $_scs_section_size  }
0xa0: {  	s6 =	simm.s32 $_size__tile_overlayer_lowered;
	s7 =	simm.s32 $_tile_overlayer_lowered  }
0xa1: {  	s22 =	simm.s32 $0x1BFF;
	s21 =	sshll.u32 s7, $0x1;
	s4 =	sadd.s32 s5, s19  }
0xa2: {  	s8 =	simm.s32 $0x0;
	s20 =	sshll.u32 s6, $0x1;
	s6 =	sadd.s32 s21, s4  }
0xa3: {  	[timem:s8], [sflag:s22] =	dma.local [hbm:s6], s20  }
0xa4: {  	_ =	swait.ge [sflag:s22], s20  }
0xa5: {  	s5 =	ssub.s32 $0x0, s20;
	[sflag:s22] =	ssyncset.done $0x0  }
0xa6: {  	[sflag:s22] =	ssyncadd.s32 s5;
	_ =	sdelay $0x1  }
0xa7: {  	s23 =	simm.s32 $0x1B8B  }
0xa8: {  	_ =	swait.ge [sflag:s23], $0x1  }
0xa9: {  	[sflag:s23] =	ssyncset.done $0x0  }
0xaa: {  	s25 =	simm.s32 $0x1B8E;
	s24 =	sld [smem:$0x3FFE];
	[sflag:s23] =	ssyncadd.s32 $0xFFFFFFFF  }
0xab: {  	s26 =	simm.s32 $execute0_lowered;
	[smem:$0x3FD2] =	sst s25  }
0xac: {  	s6 =	sshll.u32 s26, $0x1;
	_ =	strace $0x80000046;
	[dreg:$0x1] =	wrdreg $0xFFFFFFFF  }
0xad: {  	s28 =	simm.s32 $_size_execute0_lowered;
	s4 =	sadd.s32 s4, s6;
	[dreg:$0x0] =	wrdreg $0x0  }
0xae: {  	s6 =	sshll.u32 s28, $0x1;
	[dreg:$0x2] =	wrdreg s4  }
0xaf: {  	[dreg:$0x3] =	wrdreg s6  }
0xb0: {  	[dreg:$0x4] =	wrdreg $0xC0  }
0xb1: {  	_ =	task [dreg:s8], $0x5FFFF  }
0xb2: {  	[dreg:$0x1] =	wrdreg $0xFFFFFFFF  }
0xb3: {  	[dreg:$0x0] =	wrdreg $0x60  }
0xb4: {  	[dreg:$0x2] =	wrdreg s24  }
0xb5: {  	[dreg:$0x3] =	wrdreg s17  }
0xb6: {  	[dreg:$0x4] =	wrdreg s16  }
0xb7: {  	[dreg:$0x5] =	wrdreg $0x9  }
0xb8: {  	_ =	task.clear_ibuf [dreg:s8], $0x6FFFF;
	_ =	strace $0x90000046  }
0xb9: {  	s29 =	simm.s32 $0x9;
	_ =	strace $0x80000048  }
0xba: {  	_ =	swait.ge [sflag:s29], $0x1  }
0xbb: {  	[sflag:s29] =	ssyncadd.s32 $0xFFFFFFFF  }
0xbc: {  	_ =	strace $0x90000048  }
0xbd: {  	_ =	sfence  }
0xbe: {  	s30 =	sld [smem:$0x0];
	_ =	sdelay $0x2  }
0xbf: {  	s31 =	sshll.u32 s1, $0xD;
	s1 =	sshrl.u32 s1, $0x2  }
0xc0: {  	s3 =	sand.u32 $0x4000, s31;
	s1 =	sadd.s32 s1, s30  }
0xc1: {  	s0 =	sor.u32 s3, s0;
	s1 =	sshll.u32 s1, $0x11  }
0xc2: {  	s0 =	sor.u32 s1, s0  }
0xc3: {  	s0 =	sadd.s32 $0x8F2B, s0  }
0xc4: {  	[sflag:s0] =	ssyncadd.remote.s32 $0x1  }
0xc5: {  	_ =	sfence.sel $0xFFFF  }
0xc6: {  	[dreg:$0x0] =	wrdreg $0xFFFFFFFF;
	(pc) =	sbr.abs _section_cstart, $3  }
0xc7: {  	[dreg:$0x1] =	wrdreg $0xFFFFFFFF  }
0xc8: {  	_ =	task.clear_ibuf [dreg:s8], $0x2FFFF;
	_ =	strace $0x9FFFFFFF  }
0xc9: {  	(tm) =	ssettm $0x7FFFFFFF  }
tec
execute0_lowered:
.L_overlay_start_1:
0x0: {  	(tag) =	ssettag $0x1  }
0x1: {  	s3 =	rddreg [dreg:$0x0]  }
0x2: {  	s4 =	rddreg [dreg:$0x1];
	s0 =	srdreg.scid  }
0x3: {  	s5 =	rddreg [dreg:$0x2];
	s1 =	stileid.u32;
	s2 =	simm.s32 $0x0  }
0x4: {  	s10 =	simm.s32 $0x2;
	s11 =	simm.s32 $0x0;
	s6 =	sand.u32 $0x1, s0  }
0x5: {  	s0 =	rddreg [dreg:$0x3];
	s7 =	sshll.u32 s1, $0xB;
	s8 =	sshll.u32 s6, $0xA  }
0x6: {  	[smem:$0x7FF] =	sst s2;
	s6 =	ssub.s32 $0x2, s6;
	s7 =	sor.u32 s8, s7  }
0x7: {  	_ =	strace $0x80000047;
	s9 =	sshrl.u32 s6, $0x1;
	s8 =	sshrl.u32 s7, $0x2  }
0x8: {  	s6 =	ssub.s32 s6, s9;
	s5 =	sadd.s32 s5, s7;
	s7 =	simm.s32 $0x800  }
0x9: {  	s9 =	simm.s32 $0x1000;
	s3 =	sadd.s32 s8, s3;
	s4 =	sadd.s32 s4, s8  }
0xa: {  	v0 =	vimm.f32 $0.0e+00;
	v1 =	vlaneseq.u32;
	s6 =	smax.u32 s6, $0x1;
	s8 =	simm.s32 $0x1;
	s3 =	sadd.s32 $0xA00, s3  }
.LBB2_1:
0xb: {  	[tilespmem:s2], [sflag:$0x1] =	stream.linear.gather [hbm4b:s3+s2], $0x800, $0x38;
	[tilespmem:$0x3000] =	vst v63  }
0xc: {  	s12 =	sand.u32 $0x70, s2;
	s13 =	sand.u32 $0x1C00, s2  }
0xd: {  	s12 =	sor.u32 s12, s13  }
0xe: {  	[tilespmem:s7], [sflag:$0x1] =	stream.linear.gather [hbm4b:s4+s2], $0x800, $0x38;
	[tilespmem:$0x3000] =	vst v63  }
0xf: {  	[tilespmem:s12+$0x1300] =	vst v0  }
0x10: {  	[tilespmem:s12+$0x1280] =	vst v0  }
0x11: {  	[tilespmem:s12+$0x1180] =	vst v0  }
0x12: {  	[tilespmem:s12+$0x1100] =	vst v0  }
0x13: {  	s31 =	sor.u32 s2, s2;
	[tilespmem:s12+$0x1080] =	vst v0  }
0x14: {  	s15 =	simm.s32 $0x10;
	s14 =	sor.u32 $0x380, s31;
	s13 =	simm.s32 $0x80;
	[tilespmem:s12+$0x1000] =	vst v0  }
.LBB2_2:
0x15: {  	s16 =	sand.u32 $0x70, s15  }
0x16: {  	s17 =	sand.u32 $0x1C00, s13;
	[tilespmem:s12+$0x1200] =	vst v0;
	s18 =	smov.u32 s15;
	s19 =	sadd.s32 $0x10, s15  }
0x17: {  	p0 =	sne.s32 s15, $0x3F0;
	s12 =	sor.u32 s16, s17;
	[tilespmem:s14+$0x1000] =	vst v0  }
0x18: {  	[tilespmem:s12+$0x1300] =	vst v0  }
.Ltmp0:
0x19: {  	[tilespmem:s12+$0x1280] =	vst v0;
	(pc) =	sbr.rel @p0 .LBB2_2-.Ltmp0, $4  }
0x1a: {  	[tilespmem:s12+$0x1180] =	vst v0  }
0x1b: {  	[tilespmem:s12+$0x1100] =	vst v0  }
0x1c: {  	s14 =	sor.u32 s13, s18;
	[tilespmem:s12+$0x1080] =	vst v0  }
0x1d: {  	s13 =	sadd.s32 $0x80, s13;
	s15 =	smov.u32 s19;
	s14 =	sor.u32 $0x380, s14;
	[tilespmem:s12+$0x1000] =	vst v0  }
0x1e: {  	[tilespmem:s12+$0x1200] =	vst v0  }
0x1f: {  	[tilespmem:s14+$0x1000] =	vst v0  }
0x20: {  	_ =	swait.ge [sflag:s8], $0x800  }
0x21: {  	[sflag:s8] =	ssyncset.done $0x0  }
0x22: {  	[sflag:s8] =	ssyncadd.s32 $0xFFFFF800  }
0x23: {  	s13 =	simm.s32 $0x0;
	_ =	swait.ge [sflag:s8], $0x800  }
0x24: {  	s30 =	sand.u32 $0x70, s13;
	s31 =	sand.u32 $0x700, s13;
	[sflag:s8] =	ssyncset.done $0x0  }
0x25: {  	s12 =	sor.u32 s30, s31;
	[sflag:s8] =	ssyncadd.s32 $0xFFFFF800  }
0x26: {  	s15 =	simm.s32 $0x0;
	s14 =	simm.s32 $0x10;
	v2 =	vld [tilespmem:s12+$0x800]  }
.LBB2_4:
0x27: {  	p0 =	sne.s32 s14, $0x3F0  }
0x28: {  	v3 =	vld [tilespmem:s12+$0x880];
	_ =	sdelay $0x1  }
0x29: {  	v4 =	vmov s13  }
0x2a: {  	v5 =	vor.u32 s13, v1;
	s13 =	smov.u32 s14;
	v4 =	vshll.u32 v4, $0x3;
	v6 =	vshll.u32 v2, $0xA  }
0x2b: {  	v4 =	vand.u32 $0x1C00, v4;
	v2 =	vshll.u32 v2, $0x7;
	v6 =	vand.u32 $0xFFFFE000, v6  }
0x2c: {  	v2 =	vand.u32 $0x380, v2;
	v7 =	vshll.u32 v3, $0xA;
	v3 =	vshll.u32 v3, $0x7  }
0x2d: {  	v2 =	vor.u32 v6, v2;
	v6 =	vand.u32 $0xFFFFE000, v7;
	v3 =	vand.u32 $0x380, v3  }
0x2e: {  	v5 =	vand.u32 $0x7F, v5;
	v2 =	vor.u32 v4, v2;
	v3 =	vor.u32 v6, v3  }
0x2f: {  	v2 =	vor.u32 v5, v2;
	v6 =	vld [tilespmem:s12+$0x0];
	v3 =	vor.u32 v4, v3  }
0x30: {  	v4 =	vld [tilespmem:s12+$0x80];
	v3 =	vor.u32 v5, v3;
	_ =	sdelay $0x1  }
.Ltmp1:
0x31: {  	(pc) =	sbr.rel @p0 .LBB2_4-.Ltmp1, $4  }
0x32: {  	s15 =	sadd.s32 $0x20, s15  }
0x33: {  	s16 =	sand.u32 $0x700, s15;
	s12 =	sand.u32 $0x70, s14;
	[tilespmem:v2+s9+$0x0] =	vst.idx.msk $0xffff, v6  }
0x34: {  	s12 =	sor.u32 s12, s16;
	[tilespmem:v3+s9+$0x0] =	vst.idx.msk $0xffff, v4  }
0x35: {  	s14 =	sadd.s32 $0x10, s14;
	v2 =	vld [tilespmem:s12+$0x800]  }
0x36: {  	_ = 	snop  }
0x37: {  	v3 =	vld [tilespmem:s12+$0x880];
	_ =	sdelay $0x1  }
0x38: {  	v4 =	vmov s13  }
0x39: {  	v5 =	vor.u32 s13, v1;
	v4 =	vshll.u32 v4, $0x3;
	v6 =	vshll.u32 v2, $0xA  }
0x3a: {  	v4 =	vand.u32 $0x1C00, v4;
	v2 =	vshll.u32 v2, $0x7;
	v6 =	vand.u32 $0xFFFFE000, v6  }
0x3b: {  	v2 =	vand.u32 $0x380, v2;
	v7 =	vshll.u32 v3, $0xA;
	v3 =	vshll.u32 v3, $0x7  }
0x3c: {  	v2 =	vor.u32 v6, v2;
	v61 =	vand.u32 $0xFFFFE000, v7;
	v3 =	vand.u32 $0x380, v3  }
0x3d: {  	v5 =	vand.u32 $0x7F, v5;
	v2 =	vor.u32 v4, v2;
	v3 =	vor.u32 v61, v3  }
0x3e: {  	v62 =	vld [tilespmem:s12+$0x0];
	v2 =	vor.u32 v5, v2;
	v3 =	vor.u32 v4, v3  }
0x3f: {  	v63 =	vld [tilespmem:s12+$0x80];
	v3 =	vor.u32 v5, v3;
	_ =	sdelay $0x2  }
0x40: {  	s11 =	sadd.s32 $0x1, s11  }
0x41: {  	p0 =	sne.s32 s11, s6;
	[tilespmem:v2+s9+$0x0] =	vst.idx.msk $0xffff, v62  }
.Ltmp2:
0x42: {  	[tilespmem:v3+s9+$0x0] =	vst.idx.msk $0xffff, v63;
	(pc) =	sbr.rel @p0 .LBB2_1-.Ltmp2, $4  }
0x43: {  	[hbm4b:s5+s2] =	stream.linear.scatter [tilespmem:s9], [sflag:$0x2], $0x2000, $0x38;
	[tilespmem:$0x3000] =	vst v63  }
0x44: {  	_ =	swait.ge [sflag:s10], $0x2000  }
0x45: {  	[sflag:s10] =	ssyncset.done $0x0  }
0x46: {  	[sflag:s10] =	ssyncadd.s32 $0xFFFFE000  }
0x47: {  	_ =	sfence.sel $0x180000  }
0x48: {  	[bflag:$0x0] =	sbarrier.arrive $0xFFFF  }
0x49: {  	p0 =	sne.s32 s1, $0x0;
	_ =	strace $0x90000047  }
0x4a: {  	s0 =	sadd.s32 @!p0 $0x100000, s0;
	[bflag:$0x2] =	sbarrier.arrive $0xFFFF  }
0x4b: {  	[sflag:s0] =	ssyncadd.tile.s32 @!p0 $0x1;
	_ =	shalt  }
.Lfunc_end2:
_tile_overlayer_lowered:
.L_overlay_start_2:
0x4c: {  	(tag) =	ssettag $0x2  }
0x4d: {  	s0 =	rddreg [dreg:$0x0];
	s2 =	stileid.u32  }
0x4e: {  	s1 =	rddreg [dreg:$0x1];
	p0 =	sne.s32 s2, $0x0  }
0x4f: {  	s3 =	rddreg [dreg:$0x2];
	[bflag:$0x3] =	sbarrier.arrive $0xFFFF;
	s2 =	simm.s32 @!p0 $0x1C02  }
0x50: {  	[timem:s3], [sflag:s2] =	dma.local @!p0 [hbm:s0], s1  }
0x51: {  	s0 =	simm.s32 @!p0 $0x2  }
0x52: {  	_ =	swait.ge @!p0 [sflag:s0], s1  }
0x53: {  	s1 =	ssub.s32 @!p0 $0x0, s1;
	[sflag:s0] =	ssyncset.done @!p0 $0x0  }
0x54: {  	[sflag:s0] =	ssyncadd.s32 @!p0 s1  }
0x55: {  	[bflag:$0x3] =	sbarrier.arrive $0xFFFF  }
0x56: {  	_ =	shalt  }

</sc_bundles>
